<compile_context>
chip_gen: v7x
topology: tpu7x:2x2x1
jax: 0.10.2.dev20260603
libtpu: 0.0.44.dev20260713+nightly
codegen_flags: <defaults>
</compile_context>

<pallas_src>
import functools

import jax
import jax.numpy as jnp
from jax import lax
from jax.experimental import pallas as pl
from jax.experimental.pallas import tpu as pltpu
from jax.experimental.pallas import tpu_sc as plsc

B = 4096
D = 64
K = 70
KP1 = 71
ROW_BLK = 128
S_BLK = 128
T_PAIRS_TSA = 4
T_PAIRS_COV = 8
BIG = 3e38
BIGI = 1 << 30


def _stats_body(latent_ref, outs_ref, tgts_ref,
                trace_ref, frob_ref, lmax_ref, recon_ref):
    lat = latent_ref[...]
    zc = lat - jnp.mean(lat, axis=0, keepdims=True)
    cov = lax.dot_general(zc, zc, (((0,), (0,)), ((), ())),
                          preferred_element_type=jnp.float32)
    trace_ref[...] = jnp.sum(zc * zc).reshape(1, 1)
    frob_ref[...] = jnp.sum(cov * cov).reshape(1, 1)

    def pstep(_, u):
        w = jnp.sum(cov * u, axis=1, keepdims=True)
        w = w * lax.rsqrt(jnp.sum(w * w) + 1e-30)
        u2 = jnp.sum(cov * w, axis=0, keepdims=True)
        u2 = u2 * lax.rsqrt(jnp.sum(u2 * u2) + 1e-30)
        return u2
    u = lax.fori_loop(0, T_PAIRS_COV, pstep, jnp.ones((1, D), jnp.float32))
    w = jnp.sum(cov * u, axis=1, keepdims=True)
    lmax_ref[...] = jnp.sqrt(jnp.sum(w * w)).reshape(1, 1)

    diff = outs_ref[...] - tgts_ref[...]
    recon_ref[...] = (jnp.sum(diff * diff) * (1.0 / (B * D))).reshape(1, 1)


_scalar_out = jax.ShapeDtypeStruct((1, 1), jnp.float32)


def _stats_call(latent, outputs, targets):
    return pl.pallas_call(
        _stats_body,
        out_shape=[_scalar_out] * 4,
    )(latent, outputs, targets)


def _knn_body(a_ref, bt_ref, idx_ref):
    dotv = lax.dot_general(a_ref[...], bt_ref[...], (((1,), (0,)), ((), ())),
                           preferred_element_type=jnp.float32)
    col = lax.broadcasted_iota(jnp.int32, (ROW_BLK, B), 1)
    lane = lax.broadcasted_iota(jnp.int32, (ROW_BLK, KP1 + 1), 1)
    pk = lax.bitcast_convert_type(
        (lax.bitcast_convert_type(dotv, jnp.int32) & ~0xFFF) | col,
        jnp.float32)

    def step(k, carry):
        pk, acc, mn = carry
        amin = lax.bitcast_convert_type(mn, jnp.int32) & 0xFFF
        acc = jnp.where(lane == k, amin, acc)
        pk = jnp.where(pk == mn, BIG, pk)
        return pk, acc, jnp.min(pk, axis=1, keepdims=True)

    acc0 = jnp.zeros((ROW_BLK, KP1 + 1), jnp.int32)
    mn0 = jnp.min(pk, axis=1, keepdims=True)
    _, acc, _ = lax.fori_loop(0, KP1, step, (pk, acc0, mn0))
    idx_ref[...] = acc


def _knn_call(a2, bt2):
    return pl.pallas_call(
        _knn_body,
        grid=(B // ROW_BLK,),
        in_specs=[
            pl.BlockSpec((ROW_BLK, D + 1), lambda i: (i, 0)),
            pl.BlockSpec((D + 1, B), lambda i: (0, 0)),
        ],
        out_specs=pl.BlockSpec((ROW_BLK, KP1 + 1), lambda i: (i, 0)),
        out_shape=jax.ShapeDtypeStruct((B, KP1 + 1), jnp.int32),
    )(a2, bt2)


_NC, _NS = 2, 16
_NW = _NC * _NS
_NTOT = B * K
_PER_W = _NTOT // _NW
_CH = 128
_NCH = _PER_W // _CH


def _gather_sc_body(table_hbm, idx_hbm, yout_hbm, idx_v, y_v, sem):
    wid = lax.axis_index("s") * _NC + lax.axis_index("c")

    def chunk(c, carry):
        base = wid * _PER_W + c * _CH
        pltpu.sync_copy(idx_hbm.at[pl.ds(base, _CH)], idx_v)
        pltpu.async_copy(table_hbm.at[idx_v], y_v, sem).wait()
        pltpu.sync_copy(y_v, yout_hbm.at[pl.ds(base, _CH)])
        return carry

    lax.fori_loop(0, _NCH, chunk, 0)


@functools.cache
def _gather_sc():
    return pl.kernel(
        _gather_sc_body,
        out_type=jax.ShapeDtypeStruct((_NTOT, 2 * D), jnp.float32),
        mesh=plsc.VectorSubcoreMesh(core_axis_name="c", subcore_axis_name="s"),
        scratch_types=[pltpu.VMEM((_CH,), jnp.int32),
                       pltpu.VMEM((_CH, 2 * D), jnp.float32),
                       pltpu.SemaphoreType.DMA],
    )


def _tsa_body(yg_ref, out_ref):
    Y = yg_ref[...]
    ones = jnp.ones((S_BLK, K, 1), jnp.float32)

    def gramb(Yp):
        G = lax.dot_general(Yp, Yp, (((1,), (1,)), ((0,), (0,))),
                            preferred_element_type=jnp.float32)
        mcol = lax.dot_general(Yp, ones, (((1,), (1,)), ((0,), (0,))),
                               preferred_element_type=jnp.float32)
        srow = lax.dot_general(ones, Yp, (((1,), (1,)), ((0,), (0,))),
                               preferred_element_type=jnp.float32)
        return G - (mcol * srow) * (1.0 / K)

    Gz = gramb(Y[:, :, :D])
    Gx = gramb(Y[:, :, D:])

    def piter(G):
        def pstep(_, u):
            w = jnp.sum(G * u, axis=2, keepdims=True)
            n = jnp.sum(jnp.sum(w * w, axis=1, keepdims=True),
                        axis=2, keepdims=True)
            w = w * lax.rsqrt(n + 1e-30)
            u2 = jnp.sum(G * w, axis=1, keepdims=True)
            n2 = jnp.sum(jnp.sum(u2 * u2, axis=2, keepdims=True),
                         axis=1, keepdims=True)
            return u2 * lax.rsqrt(n2 + 1e-30)
        u0 = jnp.ones((S_BLK, 1, D), jnp.float32)
        return lax.fori_loop(0, T_PAIRS_TSA, pstep, u0)

    uz = piter(Gz)
    ux = piter(Gx)
    dot = jnp.sum(uz * ux, axis=2)
    part = jnp.sum(2.0 - 2.0 * dot * dot)

    @pl.when(pl.program_id(0) == 0)
    def _():
        out_ref[...] = jnp.zeros((1, 1), jnp.float32)
    out_ref[...] = out_ref[...] + part.reshape(1, 1)


def _tsa_call(yg):
    return pl.pallas_call(
        _tsa_body,
        grid=(B // S_BLK,),
        in_specs=[
            pl.BlockSpec((S_BLK, K, 2 * D), lambda i: (i, 0, 0)),
        ],
        out_specs=pl.BlockSpec((1, 1), lambda i: (0, 0)),
        out_shape=jax.ShapeDtypeStruct((1, 1), jnp.float32),
    )(yg)


def kernel(outputs, targets, latent, raw):
    trace, frob2, lmax, recon = _stats_call(latent, outputs, targets)
    a2 = jnp.concatenate([raw * (-2.0), jnp.ones((B, 1), jnp.float32)], 1)
    bt2 = jnp.concatenate([raw.T, jnp.sum(raw * raw, 1)[None, :]], 0)
    idx = _knn_call(a2, bt2)
    nbr = idx[:, 1:KP1].reshape(-1)
    table = jnp.concatenate([latent, raw], axis=1)
    yg = _gather_sc()(table, nbr)
    tsa_sum = _tsa_call(yg.reshape(B, K, 2 * D))[0, 0]

    trace = trace[0, 0]
    pr_val = trace * trace / frob2[0, 0]
    aniso_val = lmax[0, 0] / trace
    return (recon[0, 0] + 0.01 * pr_val + 0.01 * (1.0 - aniso_val)
            + 0.1 * (tsa_sum * (1.0 / B)))

# --- scband reference (transcript-rebuilt; emitter-appended) ---
"""Pipeline reference for scband-all-geom-loss-21827023799004 (READ-ONLY COPY).

The authoritative reference and input builder live on the scoring server;
editing this copy changes nothing except your own understanding.
"""

import jax, jax.numpy as jnp
import numpy as np

LAMBDA_PR = 0.01
LAMBDA_ANISO = 0.01
LAMBDA_TSA = 0.1
K = 70
P = 1
EPS = 1e-08
B = 4096
D = 64


def setup_inputs(seed: int = 0) -> dict:
    key = jax.random.key(seed)
    k1, k2, k3, k4 = jax.random.split(key, 4)
    outputs = jax.random.normal(k1, (B, D), dtype=jnp.float32)
    targets = jax.random.normal(k2, (B, D), dtype=jnp.float32)
    latent = jax.random.normal(k3, (B, D), dtype=jnp.float32)
    raw = jax.random.normal(k4, (B, D), dtype=jnp.float32)
    return {"outputs": outputs, "targets": targets, "latent": latent, "raw": raw}


def _forward(outputs, targets, latent, raw):
    # recon (shared by all three component losses, counted once in composite)
    recon = jnp.mean((outputs - targets) ** 2)

    # PR + Anisotropy: eigenvalues of latent covariance
    Bn = latent.shape[0]
    zc = latent - latent.mean(0, keepdims=True)
    cov = zc.T @ zc / (Bn - 1 + EPS)
    eig = jnp.clip(jnp.linalg.eigvalsh(cov), EPS, None)
    pr_val = eig.sum() ** 2 / jnp.sum(eig ** 2)
    aniso_val = eig.max() / eig.sum()

    # TSA: kNN over raw via full pairwise distance matrix (torch.cdist + topk smallest)
    sq = jnp.sum(raw * raw, axis=1)
    d2 = sq[:, None] + sq[None, :] - 2.0 * (raw @ raw.T)
    dists = jnp.sqrt(jnp.clip(d2, 0.0, None))
    # indices are non-differentiable in torch.topk; distances only feed index selection
    dists = jax.lax.stop_gradient(dists)
    _, idx = jax.lax.top_k(-dists, K + 1)
    nbrs = idx[:, 1:]  # drop self, [B, K]

    def per_sample(nb):
        Z = latent[nb]
        X = raw[nb]
        Zc = Z - Z.mean(0, keepdims=True)
        Xc = X - X.mean(0, keepdims=True)
        Cz = Zc.T @ Zc / (K - 1 + EPS)
        Cx = Xc.T @ Xc / (K - 1 + EPS)
        _, Uz = jnp.linalg.eigh(Cz)
        _, Ux = jnp.linalg.eigh(Cx)
        Ui = Uz[:, -P:]
        Vi = Ux[:, -P:]
        Pz = Ui @ Ui.T
        Px = Vi @ Vi.T
        return jnp.sum((Pz - Px) ** 2)

    tsa_val = jnp.mean(jax.vmap(per_sample)(nbrs))

    return recon + LAMBDA_PR * pr_val + LAMBDA_ANISO * (1.0 - aniso_val) + LAMBDA_TSA * tsa_val


def reference(outputs, targets, latent, raw):
    return _forward(outputs, targets, latent, raw)

if __name__ == "__main__":
    import jax
    _d = setup_inputs()
    print(jax.jit(kernel)(*tuple(_d.values())))

</pallas_src>

<mosaic_0001>
#map = affine_map<(d0, d1) -> (0, 0)>
#map1 = affine_map<(d0, d1) -> (0)>
module attributes {stable_mosaic.version = 14 : i64} {
  func.func @_gather_sc_body(%arg0: i32, %arg1: i32, %arg2: memref<4096x128xf32, #tpu.memory_space<hbm>>, %arg3: memref<286720xi32, #tpu.memory_space<hbm>>, %arg4: memref<286720x128xf32, #tpu.memory_space<hbm>>, %arg5: memref<128xi32, #tpu.memory_space<vmem>>, %arg6: memref<128x128xf32, #tpu.memory_space<vmem>>, %arg7: memref<!tpu.dma_semaphore, #tpu.memory_space<semaphore_mem>>) attributes {dimension_semantics = [#tpu.dimension_semantics<core_parallel>, #tpu.dimension_semantics<subcore_parallel>], iteration_bounds = array<i64: 2, 16>, scalar_prefetch = 0 : i64, scratch_operands = 3 : i64, tpu.core_type = #tpu.core_type<sc_vector_subcore>, window_params = [{transform_indices = #map}, {transform_indices = #map1}, {transform_indices = #map}]} {
    %mul3A = arith.constant 2 : i32
    %mul3A_0 = arith.muli %arg1, %mul3A : i32
    %add3A = arith.addi %mul3A_0, %arg0 : i32
    %scan3A = arith.constant 0 : i32
    %scan3A_1 = arith.constant 0 : i32
    %scan3A_2 = arith.constant 70 : i32
    %scan3A_3 = arith.addi %scan3A_1, %scan3A_2 : i32
    %scan3A_4 = arith.constant 1 : i32
    scf.for %scan3A_6 = %scan3A_1 to %scan3A_3 step %scan3A_4  : i32 {
      %mul3A_7 = arith.constant 8960 : i32
      %mul3A_8 = arith.muli %add3A, %mul3A_7 : i32
      %mul3A_9 = arith.constant 128 : i32
      %mul3A_10 = arith.muli %scan3A_6, %mul3A_9 : i32
      %add3A_11 = arith.addi %mul3A_8, %mul3A_10 : i32
      "tpu.region"() ({
        %run_scoped3A = tpu.sem_alloc : memref<!tpu.dma_semaphore, #tpu.memory_space<semaphore_mem>>
        %dma_start3A_16 = tpu.memref_slice %arg3[%add3A_11] : memref<286720xi32, #tpu.memory_space<hbm>> -> memref<128xi32, #tpu.memory_space<hbm>>
        %dma_start3A_17 = tpu.memref_slice %arg3[%add3A_11] : memref<286720xi32, #tpu.memory_space<hbm>> -> memref<128xi32, #tpu.memory_space<hbm>>
        tpu.enqueue_dma source(%dma_start3A_17 : memref<128xi32, #tpu.memory_space<hbm>>) target(%arg5 : memref<128xi32, #tpu.memory_space<vmem>>) target_semaphore(%run_scoped3A : memref<!tpu.dma_semaphore, #tpu.memory_space<semaphore_mem>>)
        %dma_wait3A_18 = tpu.memref_slice %arg3[%add3A_11] : memref<286720xi32, #tpu.memory_space<hbm>> -> memref<128xi32, #tpu.memory_space<hbm>>
        %dma_wait3A_19 = tpu.memref_slice %arg3[%add3A_11] : memref<286720xi32, #tpu.memory_space<hbm>> -> memref<128xi32, #tpu.memory_space<hbm>>
        tpu.wait_dma2 semaphore(%run_scoped3A : memref<!tpu.dma_semaphore, #tpu.memory_space<semaphore_mem>>) src(%dma_wait3A_19 : memref<128xi32, #tpu.memory_space<hbm>>) dst(%arg5 : memref<128xi32, #tpu.memory_space<vmem>>)
        tpu.yield
      }) : () -> ()
      %dma_start3A = arith.constant 0 : i32
      %dma_start3A_12 = arith.constant 0 : i32
      %dma_start3A_13 = tpu.memref_slice %arg2[%dma_start3A, %dma_start3A_12] : memref<4096x128xf32, #tpu.memory_space<hbm>> -> memref<4096x128xf32, #tpu.memory_space<hbm>>
      tpu.enqueue_indirect_dma source(%dma_start3A_13 : memref<4096x128xf32, #tpu.memory_space<hbm>>) target(%arg6 : memref<128x128xf32, #tpu.memory_space<vmem>>) offsets(%arg5 : memref<128xi32, #tpu.memory_space<vmem>>) semaphore(%arg7 : memref<!tpu.dma_semaphore, #tpu.memory_space<semaphore_mem>>)
      %dma_wait3A = arith.constant 0 : i32
      %dma_wait3A_14 = arith.constant 0 : i32
      %dma_wait3A_15 = tpu.memref_slice %arg2[%dma_wait3A, %dma_wait3A_14] : memref<4096x128xf32, #tpu.memory_space<hbm>> -> memref<4096x128xf32, #tpu.memory_space<hbm>>
      tpu.wait_indirect_dma semaphore(%arg7 : memref<!tpu.dma_semaphore, #tpu.memory_space<semaphore_mem>>) src(%dma_wait3A_15 : memref<4096x128xf32, #tpu.memory_space<hbm>>) dst(%arg6 : memref<128x128xf32, #tpu.memory_space<vmem>>)
      "tpu.region"() ({
        %run_scoped3A = tpu.sem_alloc : memref<!tpu.dma_semaphore, #tpu.memory_space<semaphore_mem>>
        %dma_start3A_16 = arith.constant 0 : i32
        %dma_start3A_17 = tpu.memref_slice %arg4[%add3A_11, %dma_start3A_16] : memref<286720x128xf32, #tpu.memory_space<hbm>> -> memref<128x128xf32, #tpu.memory_space<hbm>>
        %dma_start3A_18 = arith.constant 0 : i32
        %dma_start3A_19 = tpu.memref_slice %arg4[%add3A_11, %dma_start3A_18] : memref<286720x128xf32, #tpu.memory_space<hbm>> -> memref<128x128xf32, #tpu.memory_space<hbm>>
        tpu.enqueue_dma source(%arg6 : memref<128x128xf32, #tpu.memory_space<vmem>>) target(%dma_start3A_19 : memref<128x128xf32, #tpu.memory_space<hbm>>) target_semaphore(%run_scoped3A : memref<!tpu.dma_semaphore, #tpu.memory_space<semaphore_mem>>)
        %dma_wait3A_20 = arith.constant 0 : i32
        %dma_wait3A_21 = tpu.memref_slice %arg4[%add3A_11, %dma_wait3A_20] : memref<286720x128xf32, #tpu.memory_space<hbm>> -> memref<128x128xf32, #tpu.memory_space<hbm>>
        %dma_wait3A_22 = arith.constant 0 : i32
        %dma_wait3A_23 = tpu.memref_slice %arg4[%add3A_11, %dma_wait3A_22] : memref<286720x128xf32, #tpu.memory_space<hbm>> -> memref<128x128xf32, #tpu.memory_space<hbm>>
        tpu.wait_dma2 semaphore(%run_scoped3A : memref<!tpu.dma_semaphore, #tpu.memory_space<semaphore_mem>>) src(%arg6 : memref<128x128xf32, #tpu.memory_space<vmem>>) dst(%dma_wait3A_23 : memref<128x128xf32, #tpu.memory_space<hbm>>)
        tpu.yield
      }) : () -> ()
    }
    %scan3A_5 = arith.constant 70 : i32
    return
  }
}

module attributes {stable_mosaic.version = 14 : i64} {
  func.func @_knn_body(%arg0: i32, %arg1: memref<128x65xf32, #tpu.memory_space<vmem>>, %arg2: memref<65x4096xf32, #tpu.memory_space<vmem>>, %arg3: memref<128x72xi32, #tpu.memory_space<vmem>>) attributes {dimension_semantics = [#tpu.dimension_semantics<arbitrary>], iteration_bounds = array<i64: 32>, scalar_prefetch = 0 : i64, scratch_operands = 0 : i64, tpu.core_type = #tpu.core_type<tc>, window_params = [{transform_indices = @transform_0, window_bounds = array<i64: 128, 65>}, {pipeline_mode = #tpu.pipeline_mode<synchronous>, transform_indices = @transform_1, window_bounds = array<i64: 65, 4096>}, {transform_indices = @transform_2, window_bounds = array<i64: 128, 72>}]} {
    %get3A = arith.constant 0 : index
    %get3A_0 = arith.constant 0 : index
    %get3A_1 = vector.load %arg1[%get3A, %get3A_0] : memref<128x65xf32, #tpu.memory_space<vmem>>, vector<128x65xf32>
    %get3A_2 = arith.constant 0 : index
    %get3A_3 = arith.constant 0 : index
    %get3A_4 = vector.load %arg2[%get3A_2, %get3A_3] : memref<65x4096xf32, #tpu.memory_space<vmem>>, vector<65x4096xf32>
    %dot_general3A = arith.constant dense<0.000000e+00> : vector<128x4096xf32>
    %dot_general3A_5 = tpu.matmul %get3A_1, %get3A_4, %dot_general3A {dimension_numbers = #tpu.dot_dimension_numbers<[1], [0], [0], [1], [0, 0, 1, 1], [], []>, transpose_lhs_hint = false} : vector<128x65xf32>, vector<65x4096xf32>, vector<128x4096xf32> -> vector<128x4096xf32>
    %iota3A = tpu.iota {dimensions = array<i32: 1>} : vector<128x4096xi32>
    %iota3A_6 = tpu.iota {dimensions = array<i32: 1>} : vector<128x72xi32>
    %bitcast_convert_type3A = tpu.bitcast %dot_general3A_5 : vector<128x4096xf32> -> vector<128x4096xi32>
    %and3A = arith.constant -4096 : i32
    %and3A_7 = vector.broadcast %and3A : i32 to vector<128x4096xi32>
    %and3A_8 = arith.andi %bitcast_convert_type3A, %and3A_7 : vector<128x4096xi32>
    %or3A = arith.ori %and3A_8, %iota3A : vector<128x4096xi32>
    %bitcast_convert_type3A_9 = tpu.bitcast %or3A : vector<128x4096xi32> -> vector<128x4096xf32>
    %broadcast_in_dim3A = arith.constant 0 : i32
    %broadcast_in_dim3A_10 = vector.broadcast %broadcast_in_dim3A : i32 to vector<128x72xi32>
    %reduce_min3A = arith.constant dense<0x7F800000> : vector<128xf32>
    %reduce_min3A_11 = vector.multi_reduction <minimumf>, %bitcast_convert_type3A_9, %reduce_min3A [1] : vector<128x4096xf32> to vector<128xf32>
    %broadcast_in_dim3A_12 = vector.shape_cast %reduce_min3A_11 : vector<128xf32> to vector<128x1xf32>
    %scan3A = arith.constant 0 : i32
    %scan3A_13 = arith.constant 71 : i32
    %scan3A_14 = arith.addi %scan3A, %scan3A_13 : i32
    %scan3A_15 = arith.constant 1 : i32
    %scan3A_16:3 = scf.for %scan3A_20 = %scan3A to %scan3A_14 step %scan3A_15 iter_args(%scan3A_21 = %bitcast_convert_type3A_9, %scan3A_22 = %broadcast_in_dim3A_10, %scan3A_23 = %broadcast_in_dim3A_12) -> (vector<128x4096xf32>, vector<128x72xi32>, vector<128x1xf32>)  : i32 {
      %bitcast_convert_type3A_24 = tpu.bitcast %scan3A_23 : vector<128x1xf32> -> vector<128x1xi32>
      %and3A_25 = arith.constant 4095 : i32
      %and3A_26 = vector.broadcast %and3A_25 : i32 to vector<128x1xi32>
      %and3A_27 = arith.andi %bitcast_convert_type3A_24, %and3A_26 : vector<128x1xi32>
      %eq3A = vector.broadcast %scan3A_20 : i32 to vector<128x72xi32>
      %eq3A_28 = arith.cmpi eq, %iota3A_6, %eq3A : vector<128x72xi32>
      %broadcast_in_dim3A_29 = vector.shape_cast %and3A_27 : vector<128x1xi32> to vector<128x1xi32>
      %broadcast_in_dim3A_30 = vector.broadcast %broadcast_in_dim3A_29 : vector<128x1xi32> to vector<128x72xi32>
      %select_n3A = arith.select %eq3A_28, %broadcast_in_dim3A_30, %scan3A_22 : vector<128x72xi1>, vector<128x72xi32>
      %eq3A_31 = vector.broadcast %scan3A_23 : vector<128x1xf32> to vector<128x4096xf32>
      %eq3A_32 = arith.cmpf oeq, %scan3A_21, %eq3A_31 : vector<128x4096xf32>
      %jit3A = arith.constant 3.000000e+38 : f32
      %broadcast_in_dim3A_33 = vector.broadcast %jit3A : f32 to vector<128x4096xf32>
      %select_n3A_34 = arith.select %eq3A_32, %broadcast_in_dim3A_33, %scan3A_21 : vector<128x4096xi1>, vector<128x4096xf32>
      %reduce_min3A_35 = arith.constant dense<0x7F800000> : vector<128xf32>
      %reduce_min3A_36 = vector.multi_reduction <minimumf>, %select_n3A_34, %reduce_min3A_35 [1] : vector<128x4096xf32> to vector<128xf32>
      %broadcast_in_dim3A_37 = vector.shape_cast %reduce_min3A_36 : vector<128xf32> to vector<128x1xf32>
      scf.yield %select_n3A_34, %select_n3A, %broadcast_in_dim3A_37 : vector<128x4096xf32>, vector<128x72xi32>, vector<128x1xf32>
    }
    %scan3A_17 = arith.constant 71 : i32
    %swap3A = arith.constant 0 : index
    %swap3A_18 = arith.constant 0 : index
    %swap3A_19 = vector.load %arg3[%swap3A, %swap3A_18] : memref<128x72xi32, #tpu.memory_space<vmem>>, vector<128x72xi32>
    tpu.vector_store %arg3[%swap3A, %swap3A_18], %scan3A_16#1 {strides = array<i32>} : memref<128x72xi32, #tpu.memory_space<vmem>>, vector<128x72xi32>,
    return
  }
  func.func @transform_0(%arg0: i32) -> (i32, i32) {
    %c0_i32 = arith.constant 0 : i32
    %c0_i32_0 = arith.constant 0 : i32
    return %arg0, %c0_i32 : i32, i32
  }
  func.func @transform_1(%arg0: i32) -> (i32, i32) {
    %c0_i32 = arith.constant 0 : i32
    %c0_i32_0 = arith.constant 0 : i32
    %c0_i32_1 = arith.constant 0 : i32
    return %c0_i32, %c0_i32_0 : i32, i32
  }
  func.func @transform_2(%arg0: i32) -> (i32, i32) {
    %c0_i32 = arith.constant 0 : i32
    %c0_i32_0 = arith.constant 0 : i32
    return %arg0, %c0_i32 : i32, i32
  }
}

module attributes {stable_mosaic.version = 14 : i64} {
  func.func @_stats_body(%arg0: memref<4096x64xf32, #tpu.memory_space<vmem>>, %arg1: memref<4096x64xf32, #tpu.memory_space<vmem>>, %arg2: memref<4096x64xf32, #tpu.memory_space<vmem>>, %arg3: memref<1x1xf32, #tpu.memory_space<vmem>>, %arg4: memref<1x1xf32, #tpu.memory_space<vmem>>, %arg5: memref<1x1xf32, #tpu.memory_space<vmem>>, %arg6: memref<1x1xf32, #tpu.memory_space<vmem>>) attributes {dimension_semantics = [], scalar_prefetch = 0 : i64, scratch_operands = 0 : i64, tpu.core_type = #tpu.core_type<tc>} {
    %get3A = arith.constant 0 : index
    %get3A_0 = arith.constant 0 : index
    %get3A_1 = vector.load %arg0[%get3A, %get3A_0] : memref<4096x64xf32, #tpu.memory_space<vmem>>, vector<4096x64xf32>
    %reduce_sum3A = arith.constant dense<0.000000e+00> : vector<64xf32>
    %reduce_sum3A_2 = vector.multi_reduction <add>, %get3A_1, %reduce_sum3A [0] : vector<4096x64xf32> to vector<64xf32>
    %broadcast_in_dim3A = vector.shape_cast %reduce_sum3A_2 : vector<64xf32> to vector<1x64xf32>
    %div3A = arith.constant 4.096000e+03 : f32
    %div3A_3 = vector.broadcast %div3A : f32 to vector<1x64xf32>
    %div3A_4 = arith.divf %broadcast_in_dim3A, %div3A_3 : vector<1x64xf32>
    %sub3A = vector.broadcast %div3A_4 : vector<1x64xf32> to vector<4096x64xf32>
    %sub3A_5 = arith.subf %get3A_1, %sub3A : vector<4096x64xf32>
    %dot_general3A = arith.constant dense<0.000000e+00> : vector<64x64xf32>
    %dot_general3A_6 = tpu.matmul %sub3A_5, %sub3A_5, %dot_general3A {dimension_numbers = #tpu.dot_dimension_numbers<[0], [0], [1], [1], [0, 1, 1, 1], [], []>, transpose_lhs_hint = false} : vector<4096x64xf32>, vector<4096x64xf32>, vector<64x64xf32> -> vector<64x64xf32>
    %mul3A = arith.mulf %sub3A_5, %sub3A_5 : vector<4096x64xf32>
    %reduce_sum3A_7 = vector.shape_cast %mul3A : vector<4096x64xf32> to vector<1x4096x64xf32>
    %reduce_sum3A_8 = arith.constant dense<0.000000e+00> : vector<1xf32>
    %reduce_sum3A_9 = vector.multi_reduction <add>, %reduce_sum3A_7, %reduce_sum3A_8 [1, 2] : vector<1x4096x64xf32> to vector<1xf32>
    %reduce_sum3A_10 = vector.shape_cast %reduce_sum3A_9 : vector<1xf32> to vector<1x1x1xf32>
    %reduce_sum3A_11 = vector.extract %reduce_sum3A_10[0, 0, 0] : f32 from vector<1x1x1xf32>
    %reshape3A = vector.broadcast %reduce_sum3A_11 : f32 to vector<1x1xf32>
    %swap3A = arith.constant 0 : index
    %swap3A_12 = arith.constant 0 : index
    %swap3A_13 = vector.load %arg3[%swap3A, %swap3A_12] : memref<1x1xf32, #tpu.memory_space<vmem>>, vector<1x1xf32>
    tpu.vector_store %arg3[%swap3A, %swap3A_12], %reshape3A {strides = array<i32>} : memref<1x1xf32, #tpu.memory_space<vmem>>, vector<1x1xf32>,
    %mul3A_14 = arith.mulf %dot_general3A_6, %dot_general3A_6 : vector<64x64xf32>
    %reduce_sum3A_15 = vector.shape_cast %mul3A_14 : vector<64x64xf32> to vector<1x64x64xf32>
    %reduce_sum3A_16 = arith.constant dense<0.000000e+00> : vector<1xf32>
    %reduce_sum3A_17 = vector.multi_reduction <add>, %reduce_sum3A_15, %reduce_sum3A_16 [1, 2] : vector<1x64x64xf32> to vector<1xf32>
    %reduce_sum3A_18 = vector.shape_cast %reduce_sum3A_17 : vector<1xf32> to vector<1x1x1xf32>
    %reduce_sum3A_19 = vector.extract %reduce_sum3A_18[0, 0, 0] : f32 from vector<1x1x1xf32>
    %reshape3A_20 = vector.broadcast %reduce_sum3A_19 : f32 to vector<1x1xf32>
    %swap3A_21 = arith.constant 0 : index
    %swap3A_22 = arith.constant 0 : index
    %swap3A_23 = vector.load %arg4[%swap3A_21, %swap3A_22] : memref<1x1xf32, #tpu.memory_space<vmem>>, vector<1x1xf32>
    tpu.vector_store %arg4[%swap3A_21, %swap3A_22], %reshape3A_20 {strides = array<i32>} : memref<1x1xf32, #tpu.memory_space<vmem>>, vector<1x1xf32>,
    %broadcast_in_dim3A_24 = arith.constant 1.000000e+00 : f32
    %broadcast_in_dim3A_25 = vector.broadcast %broadcast_in_dim3A_24 : f32 to vector<1x64xf32>
    %scan3A = arith.constant 0 : i32
    %scan3A_26 = arith.constant 8 : i32
    %scan3A_27 = arith.addi %scan3A, %scan3A_26 : i32
    %scan3A_28 = arith.constant 1 : i32
    %scan3A_29 = scf.for %scan3A_64 = %scan3A to %scan3A_27 step %scan3A_28 iter_args(%scan3A_65 = %broadcast_in_dim3A_25) -> (vector<1x64xf32>)  : i32 {
      %mul3A_66 = vector.broadcast %scan3A_65 : vector<1x64xf32> to vector<64x64xf32>
      %mul3A_67 = arith.mulf %dot_general3A_6, %mul3A_66 : vector<64x64xf32>
      %reduce_sum3A_68 = arith.constant dense<0.000000e+00> : vector<64xf32>
      %reduce_sum3A_69 = vector.multi_reduction <add>, %mul3A_67, %reduce_sum3A_68 [1] : vector<64x64xf32> to vector<64xf32>
      %broadcast_in_dim3A_70 = vector.shape_cast %reduce_sum3A_69 : vector<64xf32> to vector<64x1xf32>
      %mul3A_71 = arith.mulf %broadcast_in_dim3A_70, %broadcast_in_dim3A_70 : vector<64x1xf32>
      %reduce_sum3A_72 = vector.shape_cast %mul3A_71 : vector<64x1xf32> to vector<1x64x1xf32>
      %reduce_sum3A_73 = arith.constant dense<0.000000e+00> : vector<1xf32>
      %reduce_sum3A_74 = vector.multi_reduction <add>, %reduce_sum3A_72, %reduce_sum3A_73 [1, 2] : vector<1x64x1xf32> to vector<1xf32>
      %reduce_sum3A_75 = vector.shape_cast %reduce_sum3A_74 : vector<1xf32> to vector<1x1x1xf32>
      %reduce_sum3A_76 = vector.extract %reduce_sum3A_75[0, 0, 0] : f32 from vector<1x1x1xf32>
      %add3A = arith.constant 1.000000e-30 : f32
      %add3A_77 = arith.addf %reduce_sum3A_76, %add3A : f32
      %rsqrt3A = math.rsqrt %add3A_77 : f32
      %mul3A_78 = vector.broadcast %rsqrt3A : f32 to vector<64x1xf32>
      %mul3A_79 = arith.mulf %broadcast_in_dim3A_70, %mul3A_78 : vector<64x1xf32>
      %mul3A_80 = vector.broadcast %mul3A_79 : vector<64x1xf32> to vector<64x64xf32>
      %mul3A_81 = arith.mulf %dot_general3A_6, %mul3A_80 : vector<64x64xf32>
      %reduce_sum3A_82 = arith.constant dense<0.000000e+00> : vector<64xf32>
      %reduce_sum3A_83 = vector.multi_reduction <add>, %mul3A_81, %reduce_sum3A_82 [0] : vector<64x64xf32> to vector<64xf32>
      %broadcast_in_dim3A_84 = vector.shape_cast %reduce_sum3A_83 : vector<64xf32> to vector<1x64xf32>
      %mul3A_85 = arith.mulf %broadcast_in_dim3A_84, %broadcast_in_dim3A_84 : vector<1x64xf32>
      %reduce_sum3A_86 = vector.shape_cast %mul3A_85 : vector<1x64xf32> to vector<1x1x64xf32>
      %reduce_sum3A_87 = arith.constant dense<0.000000e+00> : vector<1xf32>
      %reduce_sum3A_88 = vector.multi_reduction <add>, %reduce_sum3A_86, %reduce_sum3A_87 [1, 2] : vector<1x1x64xf32> to vector<1xf32>
      %reduce_sum3A_89 = vector.shape_cast %reduce_sum3A_88 : vector<1xf32> to vector<1x1x1xf32>
      %reduce_sum3A_90 = vector.extract %reduce_sum3A_89[0, 0, 0] : f32 from vector<1x1x1xf32>
      %add3A_91 = arith.constant 1.000000e-30 : f32
      %add3A_92 = arith.addf %reduce_sum3A_90, %add3A_91 : f32
      %rsqrt3A_93 = math.rsqrt %add3A_92 : f32
      %mul3A_94 = vector.broadcast %rsqrt3A_93 : f32 to vector<1x64xf32>
      %mul3A_95 = arith.mulf %broadcast_in_dim3A_84, %mul3A_94 : vector<1x64xf32>
      scf.yield %mul3A_95 : vector<1x64xf32>
    }
    %mul3A_30 = vector.broadcast %scan3A_29 : vector<1x64xf32> to vector<64x64xf32>
    %mul3A_31 = arith.mulf %dot_general3A_6, %mul3A_30 : vector<64x64xf32>
    %reduce_sum3A_32 = arith.constant dense<0.000000e+00> : vector<64xf32>
    %reduce_sum3A_33 = vector.multi_reduction <add>, %mul3A_31, %reduce_sum3A_32 [1] : vector<64x64xf32> to vector<64xf32>
    %broadcast_in_dim3A_34 = vector.shape_cast %reduce_sum3A_33 : vector<64xf32> to vector<64x1xf32>
    %mul3A_35 = arith.mulf %broadcast_in_dim3A_34, %broadcast_in_dim3A_34 : vector<64x1xf32>
    %reduce_sum3A_36 = vector.shape_cast %mul3A_35 : vector<64x1xf32> to vector<1x64x1xf32>
    %reduce_sum3A_37 = arith.constant dense<0.000000e+00> : vector<1xf32>
    %reduce_sum3A_38 = vector.multi_reduction <add>, %reduce_sum3A_36, %reduce_sum3A_37 [1, 2] : vector<1x64x1xf32> to vector<1xf32>
    %reduce_sum3A_39 = vector.shape_cast %reduce_sum3A_38 : vector<1xf32> to vector<1x1x1xf32>
    %reduce_sum3A_40 = vector.extract %reduce_sum3A_39[0, 0, 0] : f32 from vector<1x1x1xf32>
    %sqrt3A = math.sqrt %reduce_sum3A_40 : f32
    %reshape3A_41 = vector.broadcast %sqrt3A : f32 to vector<1x1xf32>
    %swap3A_42 = arith.constant 0 : index
    %swap3A_43 = arith.constant 0 : index
    %swap3A_44 = vector.load %arg5[%swap3A_42, %swap3A_43] : memref<1x1xf32, #tpu.memory_space<vmem>>, vector<1x1xf32>
    tpu.vector_store %arg5[%swap3A_42, %swap3A_43], %reshape3A_41 {strides = array<i32>} : memref<1x1xf32, #tpu.memory_space<vmem>>, vector<1x1xf32>,
    %get3A_45 = arith.constant 0 : index
    %get3A_46 = arith.constant 0 : index
    %get3A_47 = vector.load %arg1[%get3A_45, %get3A_46] : memref<4096x64xf32, #tpu.memory_space<vmem>>, vector<4096x64xf32>
    %get3A_48 = arith.constant 0 : index
    %get3A_49 = arith.constant 0 : index
    %get3A_50 = vector.load %arg2[%get3A_48, %get3A_49] : memref<4096x64xf32, #tpu.memory_space<vmem>>, vector<4096x64xf32>
    %sub3A_51 = arith.subf %get3A_47, %get3A_50 : vector<4096x64xf32>
    %mul3A_52 = arith.mulf %sub3A_51, %sub3A_51 : vector<4096x64xf32>
    %reduce_sum3A_53 = vector.shape_cast %mul3A_52 : vector<4096x64xf32> to vector<1x4096x64xf32>
    %reduce_sum3A_54 = arith.constant dense<0.000000e+00> : vector<1xf32>
    %reduce_sum3A_55 = vector.multi_reduction <add>, %reduce_sum3A_53, %reduce_sum3A_54 [1, 2] : vector<1x4096x64xf32> to vector<1xf32>
    %reduce_sum3A_56 = vector.shape_cast %reduce_sum3A_55 : vector<1xf32> to vector<1x1x1xf32>
    %reduce_sum3A_57 = vector.extract %reduce_sum3A_56[0, 0, 0] : f32 from vector<1x1x1xf32>
    %mul3A_58 = arith.constant 3.81469727E-6 : f32
    %mul3A_59 = arith.mulf %reduce_sum3A_57, %mul3A_58 : f32
    %reshape3A_60 = vector.broadcast %mul3A_59 : f32 to vector<1x1xf32>
    %swap3A_61 = arith.constant 0 : index
    %swap3A_62 = arith.constant 0 : index
    %swap3A_63 = vector.load %arg6[%swap3A_61, %swap3A_62] : memref<1x1xf32, #tpu.memory_space<vmem>>, vector<1x1xf32>
    tpu.vector_store %arg6[%swap3A_61, %swap3A_62], %reshape3A_60 {strides = array<i32>} : memref<1x1xf32, #tpu.memory_space<vmem>>, vector<1x1xf32>,
    return
  }
}

module attributes {stable_mosaic.version = 14 : i64} {
  func.func @_tsa_body(%arg0: i32, %arg1: memref<128x70x128xf32, #tpu.memory_space<vmem>>, %arg2: memref<1x1xf32, #tpu.memory_space<vmem>>) attributes {dimension_semantics = [#tpu.dimension_semantics<arbitrary>], iteration_bounds = array<i64: 32>, scalar_prefetch = 0 : i64, scratch_operands = 0 : i64, tpu.core_type = #tpu.core_type<tc>, window_params = [{transform_indices = @transform_0, window_bounds = array<i64: 128, 70, 128>}, {pipeline_mode = #tpu.pipeline_mode<synchronous>, transform_indices = @transform_1, window_bounds = array<i64: 1, 1>}]} {
    %get3A = arith.constant 0 : index
    %get3A_0 = arith.constant 0 : index
    %get3A_1 = arith.constant 0 : index
    %get3A_2 = vector.load %arg1[%get3A, %get3A_0, %get3A_1] : memref<128x70x128xf32, #tpu.memory_space<vmem>>, vector<128x70x128xf32>
    %broadcast_in_dim3A = arith.constant 1.000000e+00 : f32
    %broadcast_in_dim3A_3 = vector.broadcast %broadcast_in_dim3A : f32 to vector<128x70x1xf32>
    %slice3A = vector.extract_strided_slice %get3A_2 {offsets = [0, 0, 0], sizes = [128, 70, 64], strides = [1, 1, 1]} : vector<128x70x128xf32> to vector<128x70x64xf32>
    %dot_general3A = arith.constant dense<0.000000e+00> : vector<128x64x64xf32>
    %dot_general3A_4 = tpu.matmul %slice3A, %slice3A, %dot_general3A {dimension_numbers = #tpu.dot_dimension_numbers<[1], [1], [2], [2], [0, 0, 0, 2, 1, 2], [0], [0]>, transpose_lhs_hint = false} : vector<128x70x64xf32>, vector<128x70x64xf32>, vector<128x64x64xf32> -> vector<128x64x64xf32>
    %dot_general3A_5 = arith.constant dense<0.000000e+00> : vector<128x64x1xf32>
    %dot_general3A_6 = tpu.matmul %slice3A, %broadcast_in_dim3A_3, %dot_general3A_5 {dimension_numbers = #tpu.dot_dimension_numbers<[1], [1], [2], [2], [0, 0, 0, 2, 1, 2], [0], [0]>, transpose_lhs_hint = false} : vector<128x70x64xf32>, vector<128x70x1xf32>, vector<128x64x1xf32> -> vector<128x64x1xf32>
    %dot_general3A_7 = arith.constant dense<0.000000e+00> : vector<128x1x64xf32>
    %dot_general3A_8 = tpu.matmul %broadcast_in_dim3A_3, %slice3A, %dot_general3A_7 {dimension_numbers = #tpu.dot_dimension_numbers<[1], [1], [2], [2], [0, 0, 0, 2, 1, 2], [0], [0]>, transpose_lhs_hint = false} : vector<128x70x1xf32>, vector<128x70x64xf32>, vector<128x1x64xf32> -> vector<128x1x64xf32>
    %mul3A = vector.broadcast %dot_general3A_6 : vector<128x64x1xf32> to vector<128x64x64xf32>
    %mul3A_9 = vector.broadcast %dot_general3A_8 : vector<128x1x64xf32> to vector<128x64x64xf32>
    %mul3A_10 = arith.mulf %mul3A, %mul3A_9 : vector<128x64x64xf32>
    %mul3A_11 = arith.constant 0.0142857144 : f32
    %mul3A_12 = vector.broadcast %mul3A_11 : f32 to vector<128x64x64xf32>
    %mul3A_13 = arith.mulf %mul3A_10, %mul3A_12 : vector<128x64x64xf32>
    %sub3A = arith.subf %dot_general3A_4, %mul3A_13 : vector<128x64x64xf32>
    %slice3A_14 = vector.extract_strided_slice %get3A_2 {offsets = [0, 0, 64], sizes = [128, 70, 64], strides = [1, 1, 1]} : vector<128x70x128xf32> to vector<128x70x64xf32>
    %dot_general3A_15 = arith.constant dense<0.000000e+00> : vector<128x64x64xf32>
    %dot_general3A_16 = tpu.matmul %slice3A_14, %slice3A_14, %dot_general3A_15 {dimension_numbers = #tpu.dot_dimension_numbers<[1], [1], [2], [2], [0, 0, 0, 2, 1, 2], [0], [0]>, transpose_lhs_hint = false} : vector<128x70x64xf32>, vector<128x70x64xf32>, vector<128x64x64xf32> -> vector<128x64x64xf32>
    %dot_general3A_17 = arith.constant dense<0.000000e+00> : vector<128x64x1xf32>
    %dot_general3A_18 = tpu.matmul %slice3A_14, %broadcast_in_dim3A_3, %dot_general3A_17 {dimension_numbers = #tpu.dot_dimension_numbers<[1], [1], [2], [2], [0, 0, 0, 2, 1, 2], [0], [0]>, transpose_lhs_hint = false} : vector<128x70x64xf32>, vector<128x70x1xf32>, vector<128x64x1xf32> -> vector<128x64x1xf32>
    %dot_general3A_19 = arith.constant dense<0.000000e+00> : vector<128x1x64xf32>
    %dot_general3A_20 = tpu.matmul %broadcast_in_dim3A_3, %slice3A_14, %dot_general3A_19 {dimension_numbers = #tpu.dot_dimension_numbers<[1], [1], [2], [2], [0, 0, 0, 2, 1, 2], [0], [0]>, transpose_lhs_hint = false} : vector<128x70x1xf32>, vector<128x70x64xf32>, vector<128x1x64xf32> -> vector<128x1x64xf32>
    %mul3A_21 = vector.broadcast %dot_general3A_18 : vector<128x64x1xf32> to vector<128x64x64xf32>
    %mul3A_22 = vector.broadcast %dot_general3A_20 : vector<128x1x64xf32> to vector<128x64x64xf32>
    %mul3A_23 = arith.mulf %mul3A_21, %mul3A_22 : vector<128x64x64xf32>
    %mul3A_24 = arith.constant 0.0142857144 : f32
    %mul3A_25 = vector.broadcast %mul3A_24 : f32 to vector<128x64x64xf32>
    %mul3A_26 = arith.mulf %mul3A_23, %mul3A_25 : vector<128x64x64xf32>
    %sub3A_27 = arith.subf %dot_general3A_16, %mul3A_26 : vector<128x64x64xf32>
    %broadcast_in_dim3A_28 = arith.constant 1.000000e+00 : f32
    %broadcast_in_dim3A_29 = vector.broadcast %broadcast_in_dim3A_28 : f32 to vector<128x1x64xf32>
    %scan3A = arith.constant 0 : i32
    %scan3A_30 = arith.constant 4 : i32
    %scan3A_31 = arith.addi %scan3A, %scan3A_30 : i32
    %scan3A_32 = arith.constant 1 : i32
    %scan3A_33 = scf.for %scan3A_62 = %scan3A to %scan3A_31 step %scan3A_32 iter_args(%scan3A_63 = %broadcast_in_dim3A_29) -> (vector<128x1x64xf32>)  : i32 {
      %mul3A_64 = vector.broadcast %scan3A_63 : vector<128x1x64xf32> to vector<128x64x64xf32>
      %mul3A_65 = arith.mulf %sub3A, %mul3A_64 : vector<128x64x64xf32>
      %reduce_sum3A_66 = arith.constant dense<0.000000e+00> : vector<128x64xf32>
      %reduce_sum3A_67 = vector.multi_reduction <add>, %mul3A_65, %reduce_sum3A_66 [2] : vector<128x64x64xf32> to vector<128x64xf32>
      %broadcast_in_dim3A_68 = vector.shape_cast %reduce_sum3A_67 : vector<128x64xf32> to vector<128x64x1xf32>
      %mul3A_69 = arith.mulf %broadcast_in_dim3A_68, %broadcast_in_dim3A_68 : vector<128x64x1xf32>
      %reduce_sum3A_70 = arith.constant dense<0.000000e+00> : vector<128x1xf32>
      %reduce_sum3A_71 = vector.multi_reduction <add>, %mul3A_69, %reduce_sum3A_70 [1] : vector<128x64x1xf32> to vector<128x1xf32>
      %broadcast_in_dim3A_72 = vector.shape_cast %reduce_sum3A_71 : vector<128x1xf32> to vector<128x1x1xf32>
      %reduce_sum3A_73 = arith.constant dense<0.000000e+00> : vector<128x1xf32>
      %reduce_sum3A_74 = vector.multi_reduction <add>, %broadcast_in_dim3A_72, %reduce_sum3A_73 [2] : vector<128x1x1xf32> to vector<128x1xf32>
      %broadcast_in_dim3A_75 = vector.shape_cast %reduce_sum3A_74 : vector<128x1xf32> to vector<128x1x1xf32>
      %add3A_76 = arith.constant 1.000000e-30 : f32
      %add3A_77 = vector.broadcast %add3A_76 : f32 to vector<128x1x1xf32>
      %add3A_78 = arith.addf %broadcast_in_dim3A_75, %add3A_77 : vector<128x1x1xf32>
      %rsqrt3A = math.rsqrt %add3A_78 : vector<128x1x1xf32>
      %mul3A_79 = vector.broadcast %rsqrt3A : vector<128x1x1xf32> to vector<128x64x1xf32>
      %mul3A_80 = arith.mulf %broadcast_in_dim3A_68, %mul3A_79 : vector<128x64x1xf32>
      %mul3A_81 = vector.broadcast %mul3A_80 : vector<128x64x1xf32> to vector<128x64x64xf32>
      %mul3A_82 = arith.mulf %sub3A, %mul3A_81 : vector<128x64x64xf32>
      %reduce_sum3A_83 = arith.constant dense<0.000000e+00> : vector<128x64xf32>
      %reduce_sum3A_84 = vector.multi_reduction <add>, %mul3A_82, %reduce_sum3A_83 [1] : vector<128x64x64xf32> to vector<128x64xf32>
      %broadcast_in_dim3A_85 = vector.shape_cast %reduce_sum3A_84 : vector<128x64xf32> to vector<128x1x64xf32>
      %mul3A_86 = arith.mulf %broadcast_in_dim3A_85, %broadcast_in_dim3A_85 : vector<128x1x64xf32>
      %reduce_sum3A_87 = arith.constant dense<0.000000e+00> : vector<128x1xf32>
      %reduce_sum3A_88 = vector.multi_reduction <add>, %mul3A_86, %reduce_sum3A_87 [2] : vector<128x1x64xf32> to vector<128x1xf32>
      %broadcast_in_dim3A_89 = vector.shape_cast %reduce_sum3A_88 : vector<128x1xf32> to vector<128x1x1xf32>
      %reduce_sum3A_90 = arith.constant dense<0.000000e+00> : vector<128x1xf32>
      %reduce_sum3A_91 = vector.multi_reduction <add>, %broadcast_in_dim3A_89, %reduce_sum3A_90 [1] : vector<128x1x1xf32> to vector<128x1xf32>
      %broadcast_in_dim3A_92 = vector.shape_cast %reduce_sum3A_91 : vector<128x1xf32> to vector<128x1x1xf32>
      %add3A_93 = arith.constant 1.000000e-30 : f32
      %add3A_94 = vector.broadcast %add3A_93 : f32 to vector<128x1x1xf32>
      %add3A_95 = arith.addf %broadcast_in_dim3A_92, %add3A_94 : vector<128x1x1xf32>
      %rsqrt3A_96 = math.rsqrt %add3A_95 : vector<128x1x1xf32>
      %mul3A_97 = vector.broadcast %rsqrt3A_96 : vector<128x1x1xf32> to vector<128x1x64xf32>
      %mul3A_98 = arith.mulf %broadcast_in_dim3A_85, %mul3A_97 : vector<128x1x64xf32>
      scf.yield %mul3A_98 : vector<128x1x64xf32>
    }
    %broadcast_in_dim3A_34 = arith.constant 1.000000e+00 : f32
    %broadcast_in_dim3A_35 = vector.broadcast %broadcast_in_dim3A_34 : f32 to vector<128x1x64xf32>
    %scan3A_36 = arith.constant 0 : i32
    %scan3A_37 = arith.constant 4 : i32
    %scan3A_38 = arith.addi %scan3A_36, %scan3A_37 : i32
    %scan3A_39 = arith.constant 1 : i32
    %scan3A_40 = scf.for %scan3A_62 = %scan3A_36 to %scan3A_38 step %scan3A_39 iter_args(%scan3A_63 = %broadcast_in_dim3A_35) -> (vector<128x1x64xf32>)  : i32 {
      %mul3A_64 = vector.broadcast %scan3A_63 : vector<128x1x64xf32> to vector<128x64x64xf32>
      %mul3A_65 = arith.mulf %sub3A_27, %mul3A_64 : vector<128x64x64xf32>
      %reduce_sum3A_66 = arith.constant dense<0.000000e+00> : vector<128x64xf32>
      %reduce_sum3A_67 = vector.multi_reduction <add>, %mul3A_65, %reduce_sum3A_66 [2] : vector<128x64x64xf32> to vector<128x64xf32>
      %broadcast_in_dim3A_68 = vector.shape_cast %reduce_sum3A_67 : vector<128x64xf32> to vector<128x64x1xf32>
      %mul3A_69 = arith.mulf %broadcast_in_dim3A_68, %broadcast_in_dim3A_68 : vector<128x64x1xf32>
      %reduce_sum3A_70 = arith.constant dense<0.000000e+00> : vector<128x1xf32>
      %reduce_sum3A_71 = vector.multi_reduction <add>, %mul3A_69, %reduce_sum3A_70 [1] : vector<128x64x1xf32> to vector<128x1xf32>
      %broadcast_in_dim3A_72 = vector.shape_cast %reduce_sum3A_71 : vector<128x1xf32> to vector<128x1x1xf32>
      %reduce_sum3A_73 = arith.constant dense<0.000000e+00> : vector<128x1xf32>
      %reduce_sum3A_74 = vector.multi_reduction <add>, %broadcast_in_dim3A_72, %reduce_sum3A_73 [2] : vector<128x1x1xf32> to vector<128x1xf32>
      %broadcast_in_dim3A_75 = vector.shape_cast %reduce_sum3A_74 : vector<128x1xf32> to vector<128x1x1xf32>
      %add3A_76 = arith.constant 1.000000e-30 : f32
      %add3A_77 = vector.broadcast %add3A_76 : f32 to vector<128x1x1xf32>
      %add3A_78 = arith.addf %broadcast_in_dim3A_75, %add3A_77 : vector<128x1x1xf32>
      %rsqrt3A = math.rsqrt %add3A_78 : vector<128x1x1xf32>
      %mul3A_79 = vector.broadcast %rsqrt3A : vector<128x1x1xf32> to vector<128x64x1xf32>
      %mul3A_80 = arith.mulf %broadcast_in_dim3A_68, %mul3A_79 : vector<128x64x1xf32>
      %mul3A_81 = vector.broadcast %mul3A_80 : vector<128x64x1xf32> to vector<128x64x64xf32>
      %mul3A_82 = arith.mulf %sub3A_27, %mul3A_81 : vector<128x64x64xf32>
      %reduce_sum3A_83 = arith.constant dense<0.000000e+00> : vector<128x64xf32>
      %reduce_sum3A_84 = vector.multi_reduction <add>, %mul3A_82, %reduce_sum3A_83 [1] : vector<128x64x64xf32> to vector<128x64xf32>
      %broadcast_in_dim3A_85 = vector.shape_cast %reduce_sum3A_84 : vector<128x64xf32> to vector<128x1x64xf32>
      %mul3A_86 = arith.mulf %broadcast_in_dim3A_85, %broadcast_in_dim3A_85 : vector<128x1x64xf32>
      %reduce_sum3A_87 = arith.constant dense<0.000000e+00> : vector<128x1xf32>
      %reduce_sum3A_88 = vector.multi_reduction <add>, %mul3A_86, %reduce_sum3A_87 [2] : vector<128x1x64xf32> to vector<128x1xf32>
      %broadcast_in_dim3A_89 = vector.shape_cast %reduce_sum3A_88 : vector<128x1xf32> to vector<128x1x1xf32>
      %reduce_sum3A_90 = arith.constant dense<0.000000e+00> : vector<128x1xf32>
      %reduce_sum3A_91 = vector.multi_reduction <add>, %broadcast_in_dim3A_89, %reduce_sum3A_90 [1] : vector<128x1x1xf32> to vector<128x1xf32>
      %broadcast_in_dim3A_92 = vector.shape_cast %reduce_sum3A_91 : vector<128x1xf32> to vector<128x1x1xf32>
      %add3A_93 = arith.constant 1.000000e-30 : f32
      %add3A_94 = vector.broadcast %add3A_93 : f32 to vector<128x1x1xf32>
      %add3A_95 = arith.addf %broadcast_in_dim3A_92, %add3A_94 : vector<128x1x1xf32>
      %rsqrt3A_96 = math.rsqrt %add3A_95 : vector<128x1x1xf32>
      %mul3A_97 = vector.broadcast %rsqrt3A_96 : vector<128x1x1xf32> to vector<128x1x64xf32>
      %mul3A_98 = arith.mulf %broadcast_in_dim3A_85, %mul3A_97 : vector<128x1x64xf32>
      scf.yield %mul3A_98 : vector<128x1x64xf32>
    }
    %mul3A_41 = arith.mulf %scan3A_33, %scan3A_40 : vector<128x1x64xf32>
    %reduce_sum3A = arith.constant dense<0.000000e+00> : vector<128x1xf32>
    %reduce_sum3A_42 = vector.multi_reduction <add>, %mul3A_41, %reduce_sum3A [2] : vector<128x1x64xf32> to vector<128x1xf32>
    %mul3A_43 = arith.constant 2.000000e+00 : f32
    %mul3A_44 = vector.broadcast %mul3A_43 : f32 to vector<128x1xf32>
    %mul3A_45 = arith.mulf %mul3A_44, %reduce_sum3A_42 : vector<128x1xf32>
    %mul3A_46 = arith.mulf %mul3A_45, %reduce_sum3A_42 : vector<128x1xf32>
    %sub3A_47 = arith.constant 2.000000e+00 : f32
    %sub3A_48 = vector.broadcast %sub3A_47 : f32 to vector<128x1xf32>
    %sub3A_49 = arith.subf %sub3A_48, %mul3A_46 : vector<128x1xf32>
    %reduce_sum3A_50 = vector.shape_cast %sub3A_49 : vector<128x1xf32> to vector<1x128x1xf32>
    %reduce_sum3A_51 = arith.constant dense<0.000000e+00> : vector<1xf32>
    %reduce_sum3A_52 = vector.multi_reduction <add>, %reduce_sum3A_50, %reduce_sum3A_51 [1, 2] : vector<1x128x1xf32> to vector<1xf32>
    %reduce_sum3A_53 = vector.shape_cast %reduce_sum3A_52 : vector<1xf32> to vector<1x1x1xf32>
    %reduce_sum3A_54 = vector.extract %reduce_sum3A_53[0, 0, 0] : f32 from vector<1x1x1xf32>
    %eq3A = arith.constant 0 : i32
    %eq3A_55 = arith.cmpi eq, %arg0, %eq3A : i32
    %convert_element_type3A = arith.extui %eq3A_55 : i1 to i32
    %cond3A = arith.constant 0 : i32
    %cond3A_56 = arith.cmpi ne, %convert_element_type3A, %cond3A : i32
    scf.if %cond3A_56 {
      %broadcast_in_dim3A_62 = arith.constant 0.000000e+00 : f32
      %broadcast_in_dim3A_63 = vector.broadcast %broadcast_in_dim3A_62 : f32 to vector<1x1xf32>
      %swap3A_64 = arith.constant 0 : index
      %swap3A_65 = arith.constant 0 : index
      %swap3A_66 = vector.load %arg2[%swap3A_64, %swap3A_65] : memref<1x1xf32, #tpu.memory_space<vmem>>, vector<1x1xf32>
      tpu.vector_store %arg2[%swap3A_64, %swap3A_65], %broadcast_in_dim3A_63 {strides = array<i32>} : memref<1x1xf32, #tpu.memory_space<vmem>>, vector<1x1xf32>,
    } else {
    }
    %get3A_57 = arith.constant 0 : index
    %get3A_58 = arith.constant 0 : index
    %get3A_59 = vector.load %arg2[%get3A_57, %get3A_58] : memref<1x1xf32, #tpu.memory_space<vmem>>, vector<1x1xf32>
    %reshape3A = vector.broadcast %reduce_sum3A_54 : f32 to vector<1x1xf32>
    %add3A = arith.addf %get3A_59, %reshape3A : vector<1x1xf32>
    %swap3A = arith.constant 0 : index
    %swap3A_60 = arith.constant 0 : index
    %swap3A_61 = vector.load %arg2[%swap3A, %swap3A_60] : memref<1x1xf32, #tpu.memory_space<vmem>>, vector<1x1xf32>
    tpu.vector_store %arg2[%swap3A, %swap3A_60], %add3A {strides = array<i32>} : memref<1x1xf32, #tpu.memory_space<vmem>>, vector<1x1xf32>,
    return
  }
  func.func @transform_0(%arg0: i32) -> (i32, i32, i32) {
    %c0_i32 = arith.constant 0 : i32
    %c0_i32_0 = arith.constant 0 : i32
    %c0_i32_1 = arith.constant 0 : i32
    return %arg0, %c0_i32, %c0_i32_0 : i32, i32, i32
  }
  func.func @transform_1(%arg0: i32) -> (i32, i32) {
    %c0_i32 = arith.constant 0 : i32
    %c0_i32_0 = arith.constant 0 : i32
    %c0_i32_1 = arith.constant 0 : i32
    return %c0_i32, %c0_i32_0 : i32, i32
  }
}

</mosaic_0001>

<sc_bundles>
// kernel: kernel.6.cloned.1.call-start
scs
__scs_entry_jumppad:
0x0: {  	(pc) =	sbr.rel $0x88, $3  }
0x1: {  	(tag) =	ssettag $0x0;
	lr =	simm.s32 $0x1  }
0x2: {  	[smem:$0x3F9D] =	sst lr;
	_ =	strace $0xD0000000  }
0x3: {  	_ = 	snop  }
0x4: {  	_ = 	snop  }
0x5: {  	_ = 	snop  }
0x6: {  	_ = 	snop  }
0x7: {  	_ = 	snop  }
__scs_overlays_trampoline_lowered:
0x8: {  	[smem:$0x3FAC] =	sst s0  }
0x9: {  	[smem:$0x3FAD] =	sst s1  }
0xa: {  	[smem:$0x3FAE] =	sst s2  }
0xb: {  	[smem:$0x3FAF] =	sst s3  }
0xc: {  	[smem:$0x3FB0] =	sst s4  }
0xd: {  	[smem:$0x3FB1] =	sst s5  }
0xe: {  	[smem:$0x3FB2] =	sst s6  }
0xf: {  	[smem:$0x3FB3] =	sst s7  }
0x10: {  	[smem:$0x3FB4] =	sst s8  }
0x11: {  	[smem:$0x3FB5] =	sst s9;
	s0 =	simm.s32 @!p0 $0x0  }
0x12: {  	s1 =	sld [smem:$0x3F9B];
	s0 =	simm.s32 @p0 $0x1  }
0x13: {  	[smem:$0x3FB6] =	sst s0;
	s0 =	simm.s32 @!p1 $0x0  }
0x14: {  	s2 =	sld [smem:$0x3F9A];
	s0 =	simm.s32 @p1 $0x1  }
0x15: {  	[smem:$0x3FB7] =	sst s0;
	s0 =	simm.s32 @!p2 $0x0  }
0x16: {  	s3 =	sld [smem:$0x3FDB];
	s0 =	simm.s32 @p2 $0x1  }
0x17: {  	s4 =	simm.s32 $0x1BF5;
	[smem:$0x3FB9] =	sst s0  }
0x18: {  	s0 =	sld [smem:$0x3F9C];
	_ =	swait.ge [sflag:s4], $0x0  }
0x19: {  	s7 =	sld [smem:$0x3F9D]  }
0x1a: {  	s8 =	sadd.s32 $0xFFFFE003, lr  }
0x1b: {  	s9 =	sadd.s32 $0xFFFFFEF7, lr;
	s5 =	simm.s32 $0xFFFFFFFF;
	p2 =	slt.u32 s8, $0xFFFFF086  }
0x1c: {  	p1 =	slt.u32 s9, $0xF7A;
	s5 =	simm.s32 @!p2 $0x0  }
0x1d: {  	s5 =	simm.s32 @p1 $0x1;
	p0 =	seq.s32 s7, s2  }
0x1e: {  	s7 =	smul.u32 @!p0 $0xF7A, s2;
	p2 =	seq.s32 @!p0 s5, $0x0  }
0x1f: {  	s9 =	smul.u32 $0xF7A, s1;
	s8 =	simm.s32 @!p0 $0x1BF5;
	p2 =	por !p2, p0  }
0x20: {  	[sflag:s8] =	ssyncset.s32 @!p0 $0xFFFFF086;
	s6 =	sadd.s32 @!p0 s3, s7;
	s7 =	simm.s32 @!p0 $0x108  }
0x21: {  	s3 =	sadd.s32 s3, s9;
	s6 =	sadd.s32 @!p0 $0x88, s6;
	s7 =	simm.s32 @p2 $0x1082  }
0x22: {  	[simem:s7], [sflag:s8] =	dma.local @!p0 [hbm:s6], $0xF7A  }
0x23: {  	s9 =	sor.u32 $0xD0000000, s2;
	s6 =	simm.s32 $0x108;
	_ =	swait.ge @!p0 [sflag:s8], $0x0  }
0x24: {  	s3 =	sadd.s32 $0x88, s3;
	s6 =	simm.s32 @!p1 $0x1082;
	[sflag:s4] =	ssyncset.s32 $0xFFFFF086  }
0x25: {  	[simem:s6], [sflag:s4] =	dma.local [hbm:s3], $0xF7A  }
0x26: {  	[smem:$0x3F9D] =	sst s1;
	(tag) =	ssettag s2;
	_ =	strace s9  }
0x27: {  	s1 =	sld [smem:$0x3FAD]  }
0x28: {  	s2 =	sld [smem:$0x3FAE]  }
0x29: {  	s4 =	sld [smem:$0x3FB0]  }
0x2a: {  	p0 =	seq.s32 s5, $0x0;
	s5 =	sld [smem:$0x3FB1]  }
0x2b: {  	s6 =	sld [smem:$0x3FB2]  }
0x2c: {  	s7 =	sld [smem:$0x3FB3]  }
0x2d: {  	s3 =	simm.s32 $0x108;
	s8 =	sld [smem:$0x3FB4]  }
0x2e: {  	s3 =	simm.s32 @!p0 $0x1082;
	s9 =	sld [smem:$0x3FB5]  }
0x2f: {  	lr =	sadd.s32 s0, s3;
	s0 =	sld [smem:$0x3FAC]  }
0x30: {  	s3 =	sld [smem:$0x3FAF]  }
0x31: {  	[smem:$0x3FB8] =	sst s10  }
0x32: {  	s10 =	sld [smem:$0x3FB6];
	_ =	sdelay $0x3  }
0x33: {  	p0 =	seq.s32 s10, $0x1;
	s10 =	sld [smem:$0x3FB8];
	_ =	sdelay $0x3  }
0x34: {  	[smem:$0x3FB8] =	sst s10  }
0x35: {  	s10 =	sld [smem:$0x3FB7];
	_ =	sdelay $0x3  }
0x36: {  	p1 =	seq.s32 s10, $0x1;
	s10 =	sld [smem:$0x3FB8];
	_ =	sdelay $0x3  }
0x37: {  	[smem:$0x3FB8] =	sst s10  }
0x38: {  	s10 =	sld [smem:$0x3FB9]  }
0x39: {  	_ = 	snop;
	(pc) =	sbr.ind lr, $3  }
0x3a: {  	_ = 	snop  }
0x3b: {  	_ = 	snop  }
0x3c: {  	p2 =	seq.s32 s10, $0x1;
	s10 =	sld [smem:$0x3FB8]  }
0x3d: {  	_ =	shalt  }
0x3e: {  	_ =	shalt  }
0x3f: {  	_ =	shalt  }
0x40: {  	_ =	shalt  }
0x41: {  	_ =	shalt  }
0x42: {  	_ =	shalt  }
0x43: {  	_ =	shalt  }
0x44: {  	_ =	shalt  }
0x45: {  	_ =	shalt  }
0x46: {  	_ =	shalt  }
0x47: {  	_ =	shalt  }
0x48: {  	_ =	shalt  }
0x49: {  	_ =	shalt  }
0x4a: {  	_ =	shalt  }
0x4b: {  	_ =	shalt  }
0x4c: {  	_ =	shalt  }
0x4d: {  	_ =	shalt  }
0x4e: {  	_ =	shalt  }
0x4f: {  	_ =	shalt  }
0x50: {  	_ =	shalt  }
0x51: {  	_ =	shalt  }
0x52: {  	_ =	shalt  }
0x53: {  	_ =	shalt  }
0x54: {  	_ =	shalt  }
0x55: {  	_ =	shalt  }
0x56: {  	_ =	shalt  }
0x57: {  	_ =	shalt  }
0x58: {  	_ =	shalt  }
0x59: {  	_ =	shalt  }
0x5a: {  	_ =	shalt  }
0x5b: {  	_ =	shalt  }
0x5c: {  	_ =	shalt  }
0x5d: {  	_ =	shalt  }
0x5e: {  	_ =	shalt  }
0x5f: {  	_ =	shalt  }
0x60: {  	_ =	shalt  }
0x61: {  	_ =	shalt  }
0x62: {  	_ =	shalt  }
0x63: {  	_ =	shalt  }
0x64: {  	_ =	shalt  }
0x65: {  	_ =	shalt  }
0x66: {  	_ =	shalt  }
0x67: {  	_ =	shalt  }
0x68: {  	_ =	shalt  }
0x69: {  	_ =	shalt  }
0x6a: {  	_ =	shalt  }
0x6b: {  	_ =	shalt  }
0x6c: {  	_ =	shalt  }
0x6d: {  	_ =	shalt  }
0x6e: {  	_ =	shalt  }
0x6f: {  	_ =	shalt  }
0x70: {  	_ =	shalt  }
0x71: {  	_ =	shalt  }
0x72: {  	_ =	shalt  }
0x73: {  	_ =	shalt  }
0x74: {  	_ =	shalt  }
0x75: {  	_ =	shalt  }
0x76: {  	_ =	shalt  }
0x77: {  	_ =	shalt  }
0x78: {  	_ =	shalt  }
0x79: {  	_ =	shalt  }
0x7a: {  	_ =	shalt  }
0x7b: {  	_ =	shalt  }
0x7c: {  	_ =	shalt  }
0x7d: {  	_ =	shalt  }
0x7e: {  	_ =	shalt  }
0x7f: {  	_ =	shalt  }
0x80: {  	_ =	shalt  }
0x81: {  	_ =	shalt  }
0x82: {  	_ =	shalt  }
0x83: {  	_ =	shalt  }
0x84: {  	_ =	shalt  }
0x85: {  	_ =	shalt  }
0x86: {  	_ =	shalt  }
0x87: {  	_ =	shalt  }
.Lfunc_end0:
.L_simem_size_0:
called_computation_lowered:
.L_overlay_start_0:
0x88: {  	s2 =	sld [smem:$0x3FD9]  }
0x89: {  	s3 =	sld [smem:$0x3FFE];
	_ =	sdelay $0x1  }
0x8a: {  	s1 =	srdreg.scid  }
0x8b: {  	s0 =	sand.u32 $0x1, s1  }
0x8c: {  	s16 =	sshll.u32 s0, $0xA;
	s2 =	sadd.s32 s3, s2  }
0x8d: {  	s2 =	sadd.s32 s2, s16  }
0x8e: {  	[smem:$0x3FC4] =	sst s2  }
0x8f: {  	_ = 	snop  }
0x90: {  	(tm) =	ssettm $0x1  }
0x91: {  	s17 =	sld [smem:$0x3FFB];
	_ =	sdelay $0x3  }
0x92: {  	_ =	strace s17  }
0x93: {  	s2 =	sld [smem:$0x3FFC];
	_ =	sdelay $0x3  }
0x94: {  	_ =	strace s2  }
0x95: {  	s2 =	sld [smem:$0x3FFD];
	_ =	sdelay $0x3  }
0x96: {  	_ =	strace s2  }
0x97: {  	_ =	strace $0x8FFFFFFF  }
0x98: {  	s18 =	sld [smem:$0x3FDB];
	_ =	sdelay $0x1  }
0x99: {  	s19 =	simm.s32 $_scs_section_size  }
0x9a: {  	s4 =	simm.s32 $_size__tile_overlayer_lowered;
	s5 =	simm.s32 $_tile_overlayer_lowered  }
0x9b: {  	s22 =	simm.s32 $0x1BFF;
	s21 =	sshll.u32 s5, $0x1;
	s2 =	sadd.s32 s19, s18  }
0x9c: {  	s6 =	simm.s32 $0x0;
	s20 =	sshll.u32 s4, $0x1;
	s4 =	sadd.s32 s21, s2  }
0x9d: {  	[timem:s6], [sflag:s22] =	dma.local [hbm:s4], s20  }
0x9e: {  	_ =	swait.ge [sflag:s22], s20  }
0x9f: {  	s3 =	ssub.s32 $0x0, s20;
	[sflag:s22] =	ssyncset.done $0x0  }
0xa0: {  	[sflag:s22] =	ssyncadd.s32 s3;
	_ =	sdelay $0x1  }
0xa1: {  	s23 =	simm.s32 $0x1B8B  }
0xa2: {  	_ =	swait.ge [sflag:s23], $0x1  }
0xa3: {  	[sflag:s23] =	ssyncset.done $0x0  }
0xa4: {  	s25 =	simm.s32 $0x1B8E;
	s24 =	sld [smem:$0x3FFE];
	[sflag:s23] =	ssyncadd.s32 $0xFFFFFFFF  }
0xa5: {  	s26 =	simm.s32 $execute0_lowered;
	[smem:$0x3FD2] =	sst s25  }
0xa6: {  	s4 =	sshll.u32 s26, $0x1;
	_ =	strace $0x80000046;
	[dreg:$0x1] =	wrdreg $0xFFFFFFFF  }
0xa7: {  	s28 =	simm.s32 $_size_execute0_lowered;
	s2 =	sadd.s32 s2, s4;
	[dreg:$0x0] =	wrdreg $0x0  }
0xa8: {  	s4 =	sshll.u32 s28, $0x1;
	[dreg:$0x2] =	wrdreg s2  }
0xa9: {  	[dreg:$0x3] =	wrdreg s4  }
0xaa: {  	[dreg:$0x4] =	wrdreg $0xC0  }
0xab: {  	_ =	task [dreg:s6], $0x5FFFF  }
0xac: {  	[dreg:$0x1] =	wrdreg $0xFFFFFFFF  }
0xad: {  	[dreg:$0x0] =	wrdreg $0x60  }
0xae: {  	[dreg:$0x2] =	wrdreg s24  }
0xaf: {  	[dreg:$0x3] =	wrdreg $0x9  }
0xb0: {  	_ =	task.clear_ibuf [dreg:s6], $0x4FFFF;
	_ =	strace $0x90000046  }
0xb1: {  	s29 =	simm.s32 $0x9;
	_ =	strace $0x80000048  }
0xb2: {  	_ =	swait.ge [sflag:s29], $0x1  }
0xb3: {  	[sflag:s29] =	ssyncadd.s32 $0xFFFFFFFF  }
0xb4: {  	_ =	strace $0x90000048  }
0xb5: {  	_ =	sfence  }
0xb6: {  	s30 =	sld [smem:$0x0];
	_ =	sdelay $0x2  }
0xb7: {  	s31 =	sshll.u32 s1, $0xD;
	s1 =	sshrl.u32 s1, $0x2  }
0xb8: {  	s3 =	sand.u32 $0x4000, s31;
	s1 =	sadd.s32 s1, s30  }
0xb9: {  	s0 =	sor.u32 s3, s0;
	s1 =	sshll.u32 s1, $0x11  }
0xba: {  	s0 =	sor.u32 s1, s0  }
0xbb: {  	s0 =	sadd.s32 $0x8F2B, s0  }
0xbc: {  	[sflag:s0] =	ssyncadd.remote.s32 $0x1  }
0xbd: {  	_ =	sfence.sel $0xFFFF  }
0xbe: {  	[dreg:$0x0] =	wrdreg $0xFFFFFFFF;
	(pc) =	sbr.abs _section_cstart, $3  }
0xbf: {  	[dreg:$0x1] =	wrdreg $0xFFFFFFFF  }
0xc0: {  	_ =	task.clear_ibuf [dreg:s6], $0x2FFFF;
	_ =	strace $0x9FFFFFFF  }
0xc1: {  	(tm) =	ssettm $0x7FFFFFFF  }
tec
execute0_lowered:
.L_overlay_start_1:
0x0: {  	(tag) =	ssettag $0x1  }
0x1: {  	s4 =	rddreg [dreg:$0x0]  }
0x2: {  	s0 =	rddreg [dreg:$0x1];
	s2 =	simm.s32 $0x0;
	s1 =	stileid.u32  }
0x3: {  	s3 =	srdreg.scid;
	s10 =	simm.s32 $0x0;
	s6 =	smul.u32 $0x4600, s1  }
0x4: {  	[smem:$0x7FF] =	sst s2;
	s5 =	sand.u32 $0x1, s3;
	s8 =	smul.u32 $0x46000, s1  }
0x5: {  	s3 =	sadd.s32 $0x10E00, s4;
	s7 =	smul.u32 $0x2300, s5;
	s9 =	ssub.s32 $0x2, s5  }
0x6: {  	_ =	strace $0x80000047;
	s5 =	smul.u32 $0x23000, s5;
	s31 =	sshrl.u32 s9, $0x1  }
0x7: {  	s8 =	sadd.s32 s8, s4;
	s6 =	sadd.s32 s7, s6;
	s7 =	ssub.s32 s9, s31  }
0x8: {  	s5 =	sadd.s32 s5, s8;
	s8 =	simm.s32 $0x80;
	s6 =	sshrl.u32 s6, $0x3  }
0x9: {  	s9 =	simm.s32 $0x1;
	s5 =	sadd.s32 $0x29A00, s5;
	s6 =	sadd.s32 s6, s4  }
0xa: {  	s4 =	smax.u32 s7, $0x1;
	s7 =	simm.s32 $0x2;
	s6 =	sadd.s32 $0x20E00, s6  }
.LBB2_1:
0xb: {  	s11 =	sadd.s32 $0x0, s6  }
0xc: {  	[tilespmem:s2], [sflag:$0x2] =	stream.linear.gather [hbm4b:s11+s2], $0x80, $0x38;
	[tilespmem:$0x4080] =	vst v63  }
0xd: {  	_ =	swait.ge [sflag:s7], $0x80  }
0xe: {  	[sflag:s7] =	ssyncset.done $0x0  }
0xf: {  	[sflag:s7] =	ssyncadd.s32 $0xFFFFFF80  }
0x10: {  	[tilespmem:s8], [sflag:$0x1] =	stream.indirect.gather [hbm4b:s3+s8], $0x80, s2, s8, $0xb8;
	[tilespmem:$0x4080] =	vst v63  }
0x11: {  	_ =	swait.ge [sflag:s9], $0x4000  }
0x12: {  	[sflag:s9] =	ssyncset.done $0x0  }
0x13: {  	[sflag:s9] =	ssyncadd.s32 $0xFFFFC000  }
0x14: {  	[hbm4b:s5+s2] =	stream.linear.scatter [tilespmem:s8], [sflag:$0x2], $0x4000, $0x38;
	[tilespmem:$0x4080] =	vst v63  }
0x15: {  	s12 =	simm.s32 $0x10;
	_ =	swait.ge [sflag:s7], $0x4000  }
0x16: {  	s13 =	simm.s32 $0x20;
	s11 =	sadd.s32 $0x800, s5;
	[sflag:s7] =	ssyncset.done $0x0  }
.LBB2_2:
0x17: {  	s14 =	sadd.s32 s12, s6  }
0x18: {  	[sflag:s7] =	ssyncadd.s32 $0xFFFFC000;
	s12 =	smov.u32 s13;
	s15 =	sadd.s32 $0x10, s13  }
0x19: {  	[tilespmem:s2], [sflag:$0x2] =	stream.linear.gather [hbm4b:s14+s2], $0x80, $0x38;
	[tilespmem:$0x4080] =	vst v63  }
0x1a: {  	p0 =	sne.s32 s13, $0x450;
	_ =	swait.ge [sflag:s7], $0x80  }
0x1b: {  	[sflag:s7] =	ssyncset.done $0x0  }
0x1c: {  	[sflag:s7] =	ssyncadd.s32 $0xFFFFFF80  }
0x1d: {  	[tilespmem:s8], [sflag:$0x1] =	stream.indirect.gather [hbm4b:s3+s8], $0x80, s2, s8, $0xb8;
	[tilespmem:$0x4080] =	vst v63  }
0x1e: {  	_ =	swait.ge [sflag:s9], $0x4000  }
.Ltmp0:
0x1f: {  	[sflag:s9] =	ssyncset.done $0x0;
	(pc) =	sbr.rel @p0 .LBB2_2-.Ltmp0, $4  }
0x20: {  	[sflag:s9] =	ssyncadd.s32 $0xFFFFC000  }
0x21: {  	[hbm4b:s11+s2] =	stream.linear.scatter [tilespmem:s8], [sflag:$0x2], $0x4000, $0x38;
	[tilespmem:$0x4080] =	vst v63  }
0x22: {  	_ =	swait.ge [sflag:s7], $0x4000  }
0x23: {  	s13 =	smov.u32 s15;
	s11 =	sadd.s32 $0x800, s11;
	[sflag:s7] =	ssyncset.done $0x0  }
0x24: {  	s12 =	sadd.s32 s12, s6;
	[sflag:s7] =	ssyncadd.s32 $0xFFFFC000  }
0x25: {  	[tilespmem:s2], [sflag:$0x2] =	stream.linear.gather [hbm4b:s12+s2], $0x80, $0x38;
	[tilespmem:$0x4080] =	vst v63  }
0x26: {  	_ =	swait.ge [sflag:s7], $0x80  }
0x27: {  	[sflag:s7] =	ssyncset.done $0x0  }
0x28: {  	[sflag:s7] =	ssyncadd.s32 $0xFFFFFF80  }
0x29: {  	[tilespmem:s8], [sflag:$0x1] =	stream.indirect.gather [hbm4b:s3+s8], $0x80, s2, s8, $0xb8;
	[tilespmem:$0x4080] =	vst v63  }
0x2a: {  	s10 =	sadd.s32 $0x1, s10;
	_ =	swait.ge [sflag:s9], $0x4000  }
0x2b: {  	p0 =	sne.s32 s10, s4;
	[sflag:s9] =	ssyncset.done $0x0  }
.Ltmp1:
0x2c: {  	[sflag:s9] =	ssyncadd.s32 $0xFFFFC000;
	(pc) =	sbr.rel @p0 .LBB2_1-.Ltmp1, $4  }
0x2d: {  	[hbm4b:s11+s2] =	stream.linear.scatter [tilespmem:s8], [sflag:$0x2], $0x4000, $0x38;
	[tilespmem:$0x4080] =	vst v63  }
0x2e: {  	_ =	swait.ge [sflag:s7], $0x4000  }
0x2f: {  	[sflag:s7] =	ssyncset.done $0x0  }
0x30: {  	[sflag:s7] =	ssyncadd.s32 $0xFFFFC000  }
0x31: {  	_ =	sfence.sel $0x180000  }
0x32: {  	[bflag:$0x0] =	sbarrier.arrive $0xFFFF  }
0x33: {  	p0 =	sne.s32 s1, $0x0;
	_ =	strace $0x90000047  }
0x34: {  	s0 =	sadd.s32 @!p0 $0x100000, s0;
	[bflag:$0x2] =	sbarrier.arrive $0xFFFF  }
0x35: {  	[sflag:s0] =	ssyncadd.tile.s32 @!p0 $0x1;
	_ =	shalt  }
.Lfunc_end2:
_tile_overlayer_lowered:
.L_overlay_start_2:
0x36: {  	(tag) =	ssettag $0x2  }
0x37: {  	s0 =	rddreg [dreg:$0x0];
	s2 =	stileid.u32  }
0x38: {  	s1 =	rddreg [dreg:$0x1];
	p0 =	sne.s32 s2, $0x0  }
0x39: {  	s3 =	rddreg [dreg:$0x2];
	[bflag:$0x3] =	sbarrier.arrive $0xFFFF;
	s2 =	simm.s32 @!p0 $0x1C02  }
0x3a: {  	[timem:s3], [sflag:s2] =	dma.local @!p0 [hbm:s0], s1  }
0x3b: {  	s0 =	simm.s32 @!p0 $0x2  }
0x3c: {  	_ =	swait.ge @!p0 [sflag:s0], s1  }
0x3d: {  	s1 =	ssub.s32 @!p0 $0x0, s1;
	[sflag:s0] =	ssyncset.done @!p0 $0x0  }
0x3e: {  	[sflag:s0] =	ssyncadd.s32 @!p0 s1  }
0x3f: {  	[bflag:$0x3] =	sbarrier.arrive $0xFFFF  }
0x40: {  	_ =	shalt  }

</sc_bundles>
